<compile_context>
chip_gen: v7x
topology: tpu7x:2x2x1
jax: 0.10.2.dev20260603
libtpu: 0.0.44.dev20260713+nightly
codegen_flags: <defaults>
</compile_context>

<pallas_src>
import jax
import jax.numpy as jnp
from jax import lax
from jax.experimental import pallas as pl
from jax.experimental.pallas import tpu as pltpu
from jax.experimental.pallas import tpu_sc as plsc

VOCAB = 100000
DIM = 128
BATCH = 4096
SEQ = 200

_info = plsc.get_sparse_core_info()
_NC, _NS = _info.num_cores, _info.num_subcores
NW = _NC * _NS

B = BATCH * SEQ
B_PER_W = B // NW
CHUNK = 128
NCHUNK = B_PER_W // CHUNK
NBUF = 2


def _gather_body(x_hbm, table_hbm, out_hbm, idx_v,
                 rows0, rows1, spm,
                 gsem0, gsem1, csem0, csem1, dsem0, dsem1):
    rows = (rows0, rows1)
    gsems = (gsem0, gsem1)
    csems = (csem0, csem1)
    dsems = (dsem0, dsem1)
    sid = lax.axis_index("s")
    wid = sid * _NC + lax.axis_index("c")
    pltpu.sync_copy(x_hbm.at[wid], idx_v)
    base = wid * B_PER_W

    def fire_g(j, b):
        pltpu.async_copy(table_hbm.at[idx_v.at[j]], rows[b], gsems[b])

    def wait_g(j, b):
        pltpu.make_async_copy(
            table_hbm.at[idx_v.at[j]], rows[b], gsems[b]).wait()

    for b in range(NBUF):
        fire_g(b, b)

    def outer(jo, carry):
        for b in range(NBUF):
            j = jo * NBUF + b
            my_spm = spm.at[sid, b]
            wait_g(j, b)

            def wait_d():
                pltpu.make_async_copy(
                    my_spm, out_hbm.at[pl.ds(base, CHUNK)], dsems[b]).wait()
            pl.when(jo > 0)(wait_d)

            pltpu.async_copy(rows[b], my_spm, csems[b])
            pltpu.make_async_copy(rows[b], my_spm, csems[b]).wait()
            pltpu.async_copy(
                my_spm, out_hbm.at[pl.ds(base + j * CHUNK, CHUNK)], dsems[b])

            def next_g():
                fire_g(j + NBUF, b)
            pl.when(jo < (NCHUNK // NBUF) - 1)(next_g)
        return carry

    lax.fori_loop(0, NCHUNK // NBUF, outer, 0)

    for b in range(NBUF):
        pltpu.make_async_copy(
            spm.at[sid, b], out_hbm.at[pl.ds(base, CHUNK)], dsems[b]).wait()


def kernel(x, table):
    mesh = plsc.VectorSubcoreMesh(core_axis_name="c", subcore_axis_name="s")
    x_blocks = x.reshape(NW, NCHUNK, CHUNK).astype(jnp.int32)
    flat = pl.kernel(
        _gather_body,
        out_type=jax.ShapeDtypeStruct((B, DIM), jnp.float32),
        mesh=mesh,
        scratch_types=(
            [pltpu.VMEM((NCHUNK, CHUNK), jnp.int32)]
            + [pltpu.VMEM((CHUNK, DIM), jnp.float32)] * NBUF
            + [pltpu.VMEM_SHARED((_NS, NBUF, CHUNK, DIM), jnp.float32)]
            + [pltpu.SemaphoreType.DMA] * (3 * NBUF)
        ),
    )(x_blocks, table)
    return flat.reshape(BATCH, SEQ, DIM)

# --- scband reference (transcript-rebuilt; emitter-appended) ---
"""Pipeline reference for scband-embeddings-64845416235391 (READ-ONLY COPY).

The authoritative reference and input builder live on the scoring server;
editing this copy changes nothing except your own understanding.
"""

import jax, jax.numpy as jnp
import numpy as np

VOCAB = 100000
DIM = 128
BATCH = 4096
SEQ = 200

def setup_inputs(seed: int = 0) -> dict:
    key = jax.random.key(seed)
    k_idx, k_tab = jax.random.split(key)
    x = jax.random.randint(k_idx, (BATCH, SEQ), 0, VOCAB, dtype=jnp.int64 if jax.config.jax_enable_x64 else jnp.int32)
    table = jax.random.normal(k_tab, (VOCAB, DIM), dtype=jnp.float32)
    # padding_idx=0: row 0 is zeros, as nn.Embedding initializes it
    table = table.at[0].set(0.0)
    return {"x": x, "table": table}

def reference(x, table):
    # Faithful to nn.Embedding(vocab, dim, padding_idx=0): plain row gather;
    # row 0 is the (zeroed) padding row.
    x_emb = jnp.take(table, x, axis=0)
    return x_emb

if __name__ == "__main__":
    import jax
    _d = setup_inputs()
    print(jax.jit(kernel)(*tuple(_d.values())))

</pallas_src>

<mosaic_0001>
#map = affine_map<(d0, d1) -> (0, 0, 0)>
#map1 = affine_map<(d0, d1) -> (0, 0)>
module attributes {stable_mosaic.version = 14 : i64} {
  func.func @_gather_body(%arg0: i32, %arg1: i32, %arg2: memref<32x200x128xi32, #tpu.memory_space<hbm>>, %arg3: memref<100000x128xf32, #tpu.memory_space<hbm>>, %arg4: memref<819200x128xf32, #tpu.memory_space<hbm>>, %arg5: memref<200x128xi32, #tpu.memory_space<vmem>>, %arg6: memref<128x128xf32, #tpu.memory_space<vmem>>, %arg7: memref<128x128xf32, #tpu.memory_space<vmem>>, %arg8: memref<16x2x128x128xf32, #tpu.memory_space<vmem_shared>>, %arg9: memref<!tpu.dma_semaphore, #tpu.memory_space<semaphore_mem>>, %arg10: memref<!tpu.dma_semaphore, #tpu.memory_space<semaphore_mem>>, %arg11: memref<!tpu.dma_semaphore, #tpu.memory_space<semaphore_mem>>, %arg12: memref<!tpu.dma_semaphore, #tpu.memory_space<semaphore_mem>>, %arg13: memref<!tpu.dma_semaphore, #tpu.memory_space<semaphore_mem>>, %arg14: memref<!tpu.dma_semaphore, #tpu.memory_space<semaphore_mem>>) attributes {dimension_semantics = [#tpu.dimension_semantics<core_parallel>, #tpu.dimension_semantics<subcore_parallel>], iteration_bounds = array<i64: 2, 16>, scalar_prefetch = 0 : i64, scratch_operands = 10 : i64, tpu.core_type = #tpu.core_type<sc_vector_subcore>, window_params = [{transform_indices = #map}, {transform_indices = #map1}, {transform_indices = #map1}]} {
    %mul3A = arith.constant 2 : i32
    %mul3A_0 = arith.muli %arg1, %mul3A : i32
    %add3A = arith.addi %mul3A_0, %arg0 : i32
    "tpu.region"() ({
      %run_scoped3A = tpu.sem_alloc : memref<!tpu.dma_semaphore, #tpu.memory_space<semaphore_mem>>
      %dma_start3A_34 = arith.constant 0 : i32
      %dma_start3A_35 = arith.constant 0 : i32
      %dma_start3A_36 = tpu.memref_slice %arg2[%add3A, %dma_start3A_34, %dma_start3A_35] : memref<32x200x128xi32, #tpu.memory_space<hbm>> -> memref<1x200x128xi32, #tpu.memory_space<hbm>>
      %dma_start3A_37 = tpu.memref_squeeze %dma_start3A_36 : memref<1x200x128xi32, #tpu.memory_space<hbm>> -> memref<200x128xi32, #tpu.memory_space<hbm>>
      %dma_start3A_38 = arith.constant 0 : i32
      %dma_start3A_39 = arith.constant 0 : i32
      %dma_start3A_40 = tpu.memref_slice %arg2[%add3A, %dma_start3A_38, %dma_start3A_39] : memref<32x200x128xi32, #tpu.memory_space<hbm>> -> memref<1x200x128xi32, #tpu.memory_space<hbm>>
      %dma_start3A_41 = tpu.memref_squeeze %dma_start3A_40 : memref<1x200x128xi32, #tpu.memory_space<hbm>> -> memref<200x128xi32, #tpu.memory_space<hbm>>
      tpu.enqueue_dma source(%dma_start3A_41 : memref<200x128xi32, #tpu.memory_space<hbm>>) target(%arg5 : memref<200x128xi32, #tpu.memory_space<vmem>>) target_semaphore(%run_scoped3A : memref<!tpu.dma_semaphore, #tpu.memory_space<semaphore_mem>>)
      %dma_wait3A_42 = arith.constant 0 : i32
      %dma_wait3A_43 = arith.constant 0 : i32
      %dma_wait3A_44 = tpu.memref_slice %arg2[%add3A, %dma_wait3A_42, %dma_wait3A_43] : memref<32x200x128xi32, #tpu.memory_space<hbm>> -> memref<1x200x128xi32, #tpu.memory_space<hbm>>
      %dma_wait3A_45 = tpu.memref_squeeze %dma_wait3A_44 : memref<1x200x128xi32, #tpu.memory_space<hbm>> -> memref<200x128xi32, #tpu.memory_space<hbm>>
      %dma_wait3A_46 = arith.constant 0 : i32
      %dma_wait3A_47 = arith.constant 0 : i32
      %dma_wait3A_48 = tpu.memref_slice %arg2[%add3A, %dma_wait3A_46, %dma_wait3A_47] : memref<32x200x128xi32, #tpu.memory_space<hbm>> -> memref<1x200x128xi32, #tpu.memory_space<hbm>>
      %dma_wait3A_49 = tpu.memref_squeeze %dma_wait3A_48 : memref<1x200x128xi32, #tpu.memory_space<hbm>> -> memref<200x128xi32, #tpu.memory_space<hbm>>
      tpu.wait_dma2 semaphore(%run_scoped3A : memref<!tpu.dma_semaphore, #tpu.memory_space<semaphore_mem>>) src(%dma_wait3A_49 : memref<200x128xi32, #tpu.memory_space<hbm>>) dst(%arg5 : memref<200x128xi32, #tpu.memory_space<vmem>>)
      tpu.yield
    }) : () -> ()
    %mul3A_1 = arith.constant 25600 : i32
    %mul3A_2 = arith.muli %add3A, %mul3A_1 : i32
    %dma_start3A = arith.constant 0 : i32
    %dma_start3A_3 = arith.constant 0 : i32
    %dma_start3A_4 = tpu.memref_slice %arg5[%dma_start3A, %dma_start3A_3] : memref<200x128xi32, #tpu.memory_space<vmem>> -> memref<1x128xi32, #tpu.memory_space<vmem>>
    %dma_start3A_5 = tpu.memref_squeeze %dma_start3A_4 : memref<1x128xi32, #tpu.memory_space<vmem>> -> memref<128xi32, #tpu.memory_space<vmem>>
    %dma_start3A_6 = arith.constant 0 : i32
    %dma_start3A_7 = arith.constant 0 : i32
    %dma_start3A_8 = tpu.memref_slice %arg3[%dma_start3A_6, %dma_start3A_7] : memref<100000x128xf32, #tpu.memory_space<hbm>> -> memref<100000x128xf32, #tpu.memory_space<hbm>>
    tpu.enqueue_indirect_dma source(%dma_start3A_8 : memref<100000x128xf32, #tpu.memory_space<hbm>>) target(%arg6 : memref<128x128xf32, #tpu.memory_space<vmem>>) offsets(%dma_start3A_5 : memref<128xi32, #tpu.memory_space<vmem>>) semaphore(%arg9 : memref<!tpu.dma_semaphore, #tpu.memory_space<semaphore_mem>>)
    %dma_start3A_9 = arith.constant 1 : i32
    %dma_start3A_10 = arith.constant 0 : i32
    %dma_start3A_11 = tpu.memref_slice %arg5[%dma_start3A_9, %dma_start3A_10] : memref<200x128xi32, #tpu.memory_space<vmem>> -> memref<1x128xi32, #tpu.memory_space<vmem>>
    %dma_start3A_12 = tpu.memref_squeeze %dma_start3A_11 : memref<1x128xi32, #tpu.memory_space<vmem>> -> memref<128xi32, #tpu.memory_space<vmem>>
    %dma_start3A_13 = arith.constant 0 : i32
    %dma_start3A_14 = arith.constant 0 : i32
    %dma_start3A_15 = tpu.memref_slice %arg3[%dma_start3A_13, %dma_start3A_14] : memref<100000x128xf32, #tpu.memory_space<hbm>> -> memref<100000x128xf32, #tpu.memory_space<hbm>>
    tpu.enqueue_indirect_dma source(%dma_start3A_15 : memref<100000x128xf32, #tpu.memory_space<hbm>>) target(%arg7 : memref<128x128xf32, #tpu.memory_space<vmem>>) offsets(%dma_start3A_12 : memref<128xi32, #tpu.memory_space<vmem>>) semaphore(%arg10 : memref<!tpu.dma_semaphore, #tpu.memory_space<semaphore_mem>>)
    %scan3A = arith.constant 0 : i32
    %scan3A_16 = arith.constant 0 : i32
    %scan3A_17 = arith.constant 100 : i32
    %scan3A_18 = arith.addi %scan3A_16, %scan3A_17 : i32
    %scan3A_19 = arith.constant 1 : i32
    scf.for %scan3A_34 = %scan3A_16 to %scan3A_18 step %scan3A_19  : i32 {
      %mul3A_35 = arith.constant 2 : i32
      %mul3A_36 = arith.muli %scan3A_34, %mul3A_35 : i32
      %add3A_37 = arith.constant 0 : i32
      %add3A_38 = arith.addi %mul3A_36, %add3A_37 : i32
      %dma_wait3A_39 = arith.constant 0 : i32
      %dma_wait3A_40 = tpu.memref_slice %arg5[%add3A_38, %dma_wait3A_39] : memref<200x128xi32, #tpu.memory_space<vmem>> -> memref<1x128xi32, #tpu.memory_space<vmem>>
      %dma_wait3A_41 = tpu.memref_squeeze %dma_wait3A_40 : memref<1x128xi32, #tpu.memory_space<vmem>> -> memref<128xi32, #tpu.memory_space<vmem>>
      %dma_wait3A_42 = arith.constant 0 : i32
      %dma_wait3A_43 = arith.constant 0 : i32
      %dma_wait3A_44 = tpu.memref_slice %arg3[%dma_wait3A_42, %dma_wait3A_43] : memref<100000x128xf32, #tpu.memory_space<hbm>> -> memref<100000x128xf32, #tpu.memory_space<hbm>>
      tpu.wait_indirect_dma semaphore(%arg9 : memref<!tpu.dma_semaphore, #tpu.memory_space<semaphore_mem>>) src(%dma_wait3A_44 : memref<100000x128xf32, #tpu.memory_space<hbm>>) dst(%arg6 : memref<128x128xf32, #tpu.memory_space<vmem>>)
      %gt3A = arith.constant 0 : i32
      %gt3A_45 = arith.cmpi sgt, %scan3A_34, %gt3A : i32
      %convert_element_type3A = arith.extui %gt3A_45 : i1 to i32
      %cond3A = arith.constant 0 : i32
      %cond3A_46 = arith.constant 0 : i32
      %cond3A_47 = arith.cmpi ne, %convert_element_type3A, %cond3A_46 : i32
      scf.if %cond3A_47 {
        %dma_wait3A_129 = arith.constant 0 : i32
        %dma_wait3A_130 = tpu.memref_slice %arg4[%mul3A_2, %dma_wait3A_129] : memref<819200x128xf32, #tpu.memory_space<hbm>> -> memref<128x128xf32, #tpu.memory_space<hbm>>
        %dma_wait3A_131 = arith.constant 0 : i32
        %dma_wait3A_132 = arith.constant 0 : i32
        %dma_wait3A_133 = tpu.memref_slice %arg8[%arg1, %cond3A, %dma_wait3A_131, %dma_wait3A_132] : memref<16x2x128x128xf32, #tpu.memory_space<vmem_shared>> -> memref<1x1x128x128xf32, #tpu.memory_space<vmem_shared>>
        %dma_wait3A_134 = tpu.memref_squeeze %dma_wait3A_133 : memref<1x1x128x128xf32, #tpu.memory_space<vmem_shared>> -> memref<128x128xf32, #tpu.memory_space<vmem_shared>>
        tpu.wait_dma2 semaphore(%arg13 : memref<!tpu.dma_semaphore, #tpu.memory_space<semaphore_mem>>) src(%dma_wait3A_134 : memref<128x128xf32, #tpu.memory_space<vmem_shared>>) dst(%dma_wait3A_130 : memref<128x128xf32, #tpu.memory_space<hbm>>)
      } else {
      }
      %dma_start3A_48 = arith.constant 0 : i32
      %dma_start3A_49 = arith.constant 0 : i32
      %dma_start3A_50 = arith.constant 0 : i32
      %dma_start3A_51 = tpu.memref_slice %arg8[%arg1, %dma_start3A_48, %dma_start3A_49, %dma_start3A_50] : memref<16x2x128x128xf32, #tpu.memory_space<vmem_shared>> -> memref<1x1x128x128xf32, #tpu.memory_space<vmem_shared>>
      %dma_start3A_52 = tpu.memref_squeeze %dma_start3A_51 : memref<1x1x128x128xf32, #tpu.memory_space<vmem_shared>> -> memref<128x128xf32, #tpu.memory_space<vmem_shared>>
      %dma_start3A_53 = arith.constant 0 : i32
      %dma_start3A_54 = arith.constant 0 : i32
      %dma_start3A_55 = tpu.memref_slice %arg8[%arg1, %dma_start3A_48, %dma_start3A_53, %dma_start3A_54] : memref<16x2x128x128xf32, #tpu.memory_space<vmem_shared>> -> memref<1x1x128x128xf32, #tpu.memory_space<vmem_shared>>
      %dma_start3A_56 = tpu.memref_squeeze %dma_start3A_55 : memref<1x1x128x128xf32, #tpu.memory_space<vmem_shared>> -> memref<128x128xf32, #tpu.memory_space<vmem_shared>>
      tpu.enqueue_dma source(%arg6 : memref<128x128xf32, #tpu.memory_space<vmem>>) target(%dma_start3A_56 : memref<128x128xf32, #tpu.memory_space<vmem_shared>>) target_semaphore(%arg11 : memref<!tpu.dma_semaphore, #tpu.memory_space<semaphore_mem>>)
      %dma_wait3A_57 = arith.constant 0 : i32
      %dma_wait3A_58 = arith.constant 0 : i32
      %dma_wait3A_59 = arith.constant 0 : i32
      %dma_wait3A_60 = tpu.memref_slice %arg8[%arg1, %dma_wait3A_57, %dma_wait3A_58, %dma_wait3A_59] : memref<16x2x128x128xf32, #tpu.memory_space<vmem_shared>> -> memref<1x1x128x128xf32, #tpu.memory_space<vmem_shared>>
      %dma_wait3A_61 = tpu.memref_squeeze %dma_wait3A_60 : memref<1x1x128x128xf32, #tpu.memory_space<vmem_shared>> -> memref<128x128xf32, #tpu.memory_space<vmem_shared>>
      %dma_wait3A_62 = arith.constant 0 : i32
      %dma_wait3A_63 = arith.constant 0 : i32
      %dma_wait3A_64 = tpu.memref_slice %arg8[%arg1, %dma_wait3A_57, %dma_wait3A_62, %dma_wait3A_63] : memref<16x2x128x128xf32, #tpu.memory_space<vmem_shared>> -> memref<1x1x128x128xf32, #tpu.memory_space<vmem_shared>>
      %dma_wait3A_65 = tpu.memref_squeeze %dma_wait3A_64 : memref<1x1x128x128xf32, #tpu.memory_space<vmem_shared>> -> memref<128x128xf32, #tpu.memory_space<vmem_shared>>
      tpu.wait_dma2 semaphore(%arg11 : memref<!tpu.dma_semaphore, #tpu.memory_space<semaphore_mem>>) src(%arg6 : memref<128x128xf32, #tpu.memory_space<vmem>>) dst(%dma_wait3A_65 : memref<128x128xf32, #tpu.memory_space<vmem_shared>>)
      %mul3A_66 = arith.constant 128 : i32
      %mul3A_67 = arith.muli %add3A_38, %mul3A_66 : i32
      %add3A_68 = arith.addi %mul3A_2, %mul3A_67 : i32
      %dma_start3A_69 = arith.constant 0 : i32
      %dma_start3A_70 = arith.constant 0 : i32
      %dma_start3A_71 = tpu.memref_slice %arg4[%add3A_68, %dma_start3A_70] : memref<819200x128xf32, #tpu.memory_space<hbm>> -> memref<128x128xf32, #tpu.memory_space<hbm>>
      %dma_start3A_72 = arith.constant 0 : i32
      %dma_start3A_73 = arith.constant 0 : i32
      %dma_start3A_74 = tpu.memref_slice %arg8[%arg1, %dma_start3A_69, %dma_start3A_72, %dma_start3A_73] : memref<16x2x128x128xf32, #tpu.memory_space<vmem_shared>> -> memref<1x1x128x128xf32, #tpu.memory_space<vmem_shared>>
      %dma_start3A_75 = tpu.memref_squeeze %dma_start3A_74 : memref<1x1x128x128xf32, #tpu.memory_space<vmem_shared>> -> memref<128x128xf32, #tpu.memory_space<vmem_shared>>
      tpu.enqueue_dma source(%dma_start3A_75 : memref<128x128xf32, #tpu.memory_space<vmem_shared>>) target(%dma_start3A_71 : memref<128x128xf32, #tpu.memory_space<hbm>>) target_semaphore(%arg13 : memref<!tpu.dma_semaphore, #tpu.memory_space<semaphore_mem>>)
      %lt3A = arith.constant 99 : i32
      %lt3A_76 = arith.cmpi slt, %scan3A_34, %lt3A : i32
      %convert_element_type3A_77 = arith.extui %lt3A_76 : i1 to i32
      %cond3A_78 = arith.constant 0 : i32
      %cond3A_79 = arith.cmpi ne, %convert_element_type3A_77, %cond3A_78 : i32
      scf.if %cond3A_79 {
        %add3A_129 = arith.constant 2 : i32
        %add3A_130 = arith.addi %add3A_38, %add3A_129 : i32
        %dma_start3A_131 = arith.constant 0 : i32
        %dma_start3A_132 = tpu.memref_slice %arg5[%add3A_130, %dma_start3A_131] : memref<200x128xi32, #tpu.memory_space<vmem>> -> memref<1x128xi32, #tpu.memory_space<vmem>>
        %dma_start3A_133 = tpu.memref_squeeze %dma_start3A_132 : memref<1x128xi32, #tpu.memory_space<vmem>> -> memref<128xi32, #tpu.memory_space<vmem>>
        %dma_start3A_134 = arith.constant 0 : i32
        %dma_start3A_135 = arith.constant 0 : i32
        %dma_start3A_136 = tpu.memref_slice %arg3[%dma_start3A_134, %dma_start3A_135] : memref<100000x128xf32, #tpu.memory_space<hbm>> -> memref<100000x128xf32, #tpu.memory_space<hbm>>
        tpu.enqueue_indirect_dma source(%dma_start3A_136 : memref<100000x128xf32, #tpu.memory_space<hbm>>) target(%arg6 : memref<128x128xf32, #tpu.memory_space<vmem>>) offsets(%dma_start3A_133 : memref<128xi32, #tpu.memory_space<vmem>>) semaphore(%arg9 : memref<!tpu.dma_semaphore, #tpu.memory_space<semaphore_mem>>)
      } else {
      }
      %mul3A_80 = arith.constant 2 : i32
      %mul3A_81 = arith.muli %scan3A_34, %mul3A_80 : i32
      %add3A_82 = arith.constant 1 : i32
      %add3A_83 = arith.addi %mul3A_81, %add3A_82 : i32
      %dma_wait3A_84 = arith.constant 0 : i32
      %dma_wait3A_85 = tpu.memref_slice %arg5[%add3A_83, %dma_wait3A_84] : memref<200x128xi32, #tpu.memory_space<vmem>> -> memref<1x128xi32, #tpu.memory_space<vmem>>
      %dma_wait3A_86 = tpu.memref_squeeze %dma_wait3A_85 : memref<1x128xi32, #tpu.memory_space<vmem>> -> memref<128xi32, #tpu.memory_space<vmem>>
      %dma_wait3A_87 = arith.constant 0 : i32
      %dma_wait3A_88 = arith.constant 0 : i32
      %dma_wait3A_89 = tpu.memref_slice %arg3[%dma_wait3A_87, %dma_wait3A_88] : memref<100000x128xf32, #tpu.memory_space<hbm>> -> memref<100000x128xf32, #tpu.memory_space<hbm>>
      tpu.wait_indirect_dma semaphore(%arg10 : memref<!tpu.dma_semaphore, #tpu.memory_space<semaphore_mem>>) src(%dma_wait3A_89 : memref<100000x128xf32, #tpu.memory_space<hbm>>) dst(%arg7 : memref<128x128xf32, #tpu.memory_space<vmem>>)
      %gt3A_90 = arith.constant 0 : i32
      %gt3A_91 = arith.cmpi sgt, %scan3A_34, %gt3A_90 : i32
      %convert_element_type3A_92 = arith.extui %gt3A_91 : i1 to i32
      %cond3A_93 = arith.constant 1 : i32
      %cond3A_94 = arith.constant 0 : i32
      %cond3A_95 = arith.cmpi ne, %convert_element_type3A_92, %cond3A_94 : i32
      scf.if %cond3A_95 {
        %dma_wait3A_129 = arith.constant 0 : i32
        %dma_wait3A_130 = tpu.memref_slice %arg4[%mul3A_2, %dma_wait3A_129] : memref<819200x128xf32, #tpu.memory_space<hbm>> -> memref<128x128xf32, #tpu.memory_space<hbm>>
        %dma_wait3A_131 = arith.constant 0 : i32
        %dma_wait3A_132 = arith.constant 0 : i32
        %dma_wait3A_133 = tpu.memref_slice %arg8[%arg1, %cond3A_93, %dma_wait3A_131, %dma_wait3A_132] : memref<16x2x128x128xf32, #tpu.memory_space<vmem_shared>> -> memref<1x1x128x128xf32, #tpu.memory_space<vmem_shared>>
        %dma_wait3A_134 = tpu.memref_squeeze %dma_wait3A_133 : memref<1x1x128x128xf32, #tpu.memory_space<vmem_shared>> -> memref<128x128xf32, #tpu.memory_space<vmem_shared>>
        tpu.wait_dma2 semaphore(%arg14 : memref<!tpu.dma_semaphore, #tpu.memory_space<semaphore_mem>>) src(%dma_wait3A_134 : memref<128x128xf32, #tpu.memory_space<vmem_shared>>) dst(%dma_wait3A_130 : memref<128x128xf32, #tpu.memory_space<hbm>>)
      } else {
      }
      %dma_start3A_96 = arith.constant 1 : i32
      %dma_start3A_97 = arith.constant 0 : i32
      %dma_start3A_98 = arith.constant 0 : i32
      %dma_start3A_99 = tpu.memref_slice %arg8[%arg1, %dma_start3A_96, %dma_start3A_97, %dma_start3A_98] : memref<16x2x128x128xf32, #tpu.memory_space<vmem_shared>> -> memref<1x1x128x128xf32, #tpu.memory_space<vmem_shared>>
      %dma_start3A_100 = tpu.memref_squeeze %dma_start3A_99 : memref<1x1x128x128xf32, #tpu.memory_space<vmem_shared>> -> memref<128x128xf32, #tpu.memory_space<vmem_shared>>
      %dma_start3A_101 = arith.constant 0 : i32
      %dma_start3A_102 = arith.constant 0 : i32
      %dma_start3A_103 = tpu.memref_slice %arg8[%arg1, %dma_start3A_96, %dma_start3A_101, %dma_start3A_102] : memref<16x2x128x128xf32, #tpu.memory_space<vmem_shared>> -> memref<1x1x128x128xf32, #tpu.memory_space<vmem_shared>>
      %dma_start3A_104 = tpu.memref_squeeze %dma_start3A_103 : memref<1x1x128x128xf32, #tpu.memory_space<vmem_shared>> -> memref<128x128xf32, #tpu.memory_space<vmem_shared>>
      tpu.enqueue_dma source(%arg7 : memref<128x128xf32, #tpu.memory_space<vmem>>) target(%dma_start3A_104 : memref<128x128xf32, #tpu.memory_space<vmem_shared>>) target_semaphore(%arg12 : memref<!tpu.dma_semaphore, #tpu.memory_space<semaphore_mem>>)
      %dma_wait3A_105 = arith.constant 1 : i32
      %dma_wait3A_106 = arith.constant 0 : i32
      %dma_wait3A_107 = arith.constant 0 : i32
      %dma_wait3A_108 = tpu.memref_slice %arg8[%arg1, %dma_wait3A_105, %dma_wait3A_106, %dma_wait3A_107] : memref<16x2x128x128xf32, #tpu.memory_space<vmem_shared>> -> memref<1x1x128x128xf32, #tpu.memory_space<vmem_shared>>
      %dma_wait3A_109 = tpu.memref_squeeze %dma_wait3A_108 : memref<1x1x128x128xf32, #tpu.memory_space<vmem_shared>> -> memref<128x128xf32, #tpu.memory_space<vmem_shared>>
      %dma_wait3A_110 = arith.constant 0 : i32
      %dma_wait3A_111 = arith.constant 0 : i32
      %dma_wait3A_112 = tpu.memref_slice %arg8[%arg1, %dma_wait3A_105, %dma_wait3A_110, %dma_wait3A_111] : memref<16x2x128x128xf32, #tpu.memory_space<vmem_shared>> -> memref<1x1x128x128xf32, #tpu.memory_space<vmem_shared>>
      %dma_wait3A_113 = tpu.memref_squeeze %dma_wait3A_112 : memref<1x1x128x128xf32, #tpu.memory_space<vmem_shared>> -> memref<128x128xf32, #tpu.memory_space<vmem_shared>>
      tpu.wait_dma2 semaphore(%arg12 : memref<!tpu.dma_semaphore, #tpu.memory_space<semaphore_mem>>) src(%arg7 : memref<128x128xf32, #tpu.memory_space<vmem>>) dst(%dma_wait3A_113 : memref<128x128xf32, #tpu.memory_space<vmem_shared>>)
      %mul3A_114 = arith.constant 128 : i32
      %mul3A_115 = arith.muli %add3A_83, %mul3A_114 : i32
      %add3A_116 = arith.addi %mul3A_2, %mul3A_115 : i32
      %dma_start3A_117 = arith.constant 1 : i32
      %dma_start3A_118 = arith.constant 0 : i32
      %dma_start3A_119 = tpu.memref_slice %arg4[%add3A_116, %dma_start3A_118] : memref<819200x128xf32, #tpu.memory_space<hbm>> -> memref<128x128xf32, #tpu.memory_space<hbm>>
      %dma_start3A_120 = arith.constant 0 : i32
      %dma_start3A_121 = arith.constant 0 : i32
      %dma_start3A_122 = tpu.memref_slice %arg8[%arg1, %dma_start3A_117, %dma_start3A_120, %dma_start3A_121] : memref<16x2x128x128xf32, #tpu.memory_space<vmem_shared>> -> memref<1x1x128x128xf32, #tpu.memory_space<vmem_shared>>
      %dma_start3A_123 = tpu.memref_squeeze %dma_start3A_122 : memref<1x1x128x128xf32, #tpu.memory_space<vmem_shared>> -> memref<128x128xf32, #tpu.memory_space<vmem_shared>>
      tpu.enqueue_dma source(%dma_start3A_123 : memref<128x128xf32, #tpu.memory_space<vmem_shared>>) target(%dma_start3A_119 : memref<128x128xf32, #tpu.memory_space<hbm>>) target_semaphore(%arg14 : memref<!tpu.dma_semaphore, #tpu.memory_space<semaphore_mem>>)
      %lt3A_124 = arith.constant 99 : i32
      %lt3A_125 = arith.cmpi slt, %scan3A_34, %lt3A_124 : i32
      %convert_element_type3A_126 = arith.extui %lt3A_125 : i1 to i32
      %cond3A_127 = arith.constant 0 : i32
      %cond3A_128 = arith.cmpi ne, %convert_element_type3A_126, %cond3A_127 : i32
      scf.if %cond3A_128 {
        %add3A_129 = arith.constant 2 : i32
        %add3A_130 = arith.addi %add3A_83, %add3A_129 : i32
        %dma_start3A_131 = arith.constant 0 : i32
        %dma_start3A_132 = tpu.memref_slice %arg5[%add3A_130, %dma_start3A_131] : memref<200x128xi32, #tpu.memory_space<vmem>> -> memref<1x128xi32, #tpu.memory_space<vmem>>
        %dma_start3A_133 = tpu.memref_squeeze %dma_start3A_132 : memref<1x128xi32, #tpu.memory_space<vmem>> -> memref<128xi32, #tpu.memory_space<vmem>>
        %dma_start3A_134 = arith.constant 0 : i32
        %dma_start3A_135 = arith.constant 0 : i32
        %dma_start3A_136 = tpu.memref_slice %arg3[%dma_start3A_134, %dma_start3A_135] : memref<100000x128xf32, #tpu.memory_space<hbm>> -> memref<100000x128xf32, #tpu.memory_space<hbm>>
        tpu.enqueue_indirect_dma source(%dma_start3A_136 : memref<100000x128xf32, #tpu.memory_space<hbm>>) target(%arg7 : memref<128x128xf32, #tpu.memory_space<vmem>>) offsets(%dma_start3A_133 : memref<128xi32, #tpu.memory_space<vmem>>) semaphore(%arg10 : memref<!tpu.dma_semaphore, #tpu.memory_space<semaphore_mem>>)
      } else {
      }
    }
    %scan3A_20 = arith.constant 100 : i32
    %dma_wait3A = arith.constant 0 : i32
    %dma_wait3A_21 = arith.constant 0 : i32
    %dma_wait3A_22 = tpu.memref_slice %arg4[%mul3A_2, %dma_wait3A_21] : memref<819200x128xf32, #tpu.memory_space<hbm>> -> memref<128x128xf32, #tpu.memory_space<hbm>>
    %dma_wait3A_23 = arith.constant 0 : i32
    %dma_wait3A_24 = arith.constant 0 : i32
    %dma_wait3A_25 = tpu.memref_slice %arg8[%arg1, %dma_wait3A, %dma_wait3A_23, %dma_wait3A_24] : memref<16x2x128x128xf32, #tpu.memory_space<vmem_shared>> -> memref<1x1x128x128xf32, #tpu.memory_space<vmem_shared>>
    %dma_wait3A_26 = tpu.memref_squeeze %dma_wait3A_25 : memref<1x1x128x128xf32, #tpu.memory_space<vmem_shared>> -> memref<128x128xf32, #tpu.memory_space<vmem_shared>>
    tpu.wait_dma2 semaphore(%arg13 : memref<!tpu.dma_semaphore, #tpu.memory_space<semaphore_mem>>) src(%dma_wait3A_26 : memref<128x128xf32, #tpu.memory_space<vmem_shared>>) dst(%dma_wait3A_22 : memref<128x128xf32, #tpu.memory_space<hbm>>)
    %dma_wait3A_27 = arith.constant 1 : i32
    %dma_wait3A_28 = arith.constant 0 : i32
    %dma_wait3A_29 = tpu.memref_slice %arg4[%mul3A_2, %dma_wait3A_28] : memref<819200x128xf32, #tpu.memory_space<hbm>> -> memref<128x128xf32, #tpu.memory_space<hbm>>
    %dma_wait3A_30 = arith.constant 0 : i32
    %dma_wait3A_31 = arith.constant 0 : i32
    %dma_wait3A_32 = tpu.memref_slice %arg8[%arg1, %dma_wait3A_27, %dma_wait3A_30, %dma_wait3A_31] : memref<16x2x128x128xf32, #tpu.memory_space<vmem_shared>> -> memref<1x1x128x128xf32, #tpu.memory_space<vmem_shared>>
    %dma_wait3A_33 = tpu.memref_squeeze %dma_wait3A_32 : memref<1x1x128x128xf32, #tpu.memory_space<vmem_shared>> -> memref<128x128xf32, #tpu.memory_space<vmem_shared>>
    tpu.wait_dma2 semaphore(%arg14 : memref<!tpu.dma_semaphore, #tpu.memory_space<semaphore_mem>>) src(%dma_wait3A_33 : memref<128x128xf32, #tpu.memory_space<vmem_shared>>) dst(%dma_wait3A_29 : memref<128x128xf32, #tpu.memory_space<hbm>>)
    return
  }
}

</mosaic_0001>

<sc_bundles>
// kernel: kernel.3.cloned.1.call-start
scs
__scs_entry_jumppad:
0x0: {  	(pc) =	sbr.rel $0x88, $3  }
0x1: {  	(tag) =	ssettag $0x0;
	lr =	simm.s32 $0x1  }
0x2: {  	[smem:$0x3F9F] =	sst lr;
	_ =	strace $0xD0000000  }
0x3: {  	_ = 	snop  }
0x4: {  	_ = 	snop  }
0x5: {  	_ = 	snop  }
0x6: {  	_ = 	snop  }
0x7: {  	_ = 	snop  }
__scs_overlays_trampoline_lowered:
0x8: {  	[smem:$0x3FAE] =	sst s0  }
0x9: {  	[smem:$0x3FAF] =	sst s1  }
0xa: {  	[smem:$0x3FB0] =	sst s2  }
0xb: {  	[smem:$0x3FB1] =	sst s3  }
0xc: {  	[smem:$0x3FB2] =	sst s4  }
0xd: {  	[smem:$0x3FB3] =	sst s5  }
0xe: {  	[smem:$0x3FB4] =	sst s6  }
0xf: {  	[smem:$0x3FB5] =	sst s7  }
0x10: {  	[smem:$0x3FB6] =	sst s8  }
0x11: {  	[smem:$0x3FB7] =	sst s9;
	s0 =	simm.s32 @!p0 $0x0  }
0x12: {  	s1 =	sld [smem:$0x3F9D];
	s0 =	simm.s32 @p0 $0x1  }
0x13: {  	[smem:$0x3FB8] =	sst s0;
	s0 =	simm.s32 @!p1 $0x0  }
0x14: {  	s2 =	sld [smem:$0x3F9C];
	s0 =	simm.s32 @p1 $0x1  }
0x15: {  	[smem:$0x3FB9] =	sst s0;
	s0 =	simm.s32 @!p2 $0x0  }
0x16: {  	s3 =	sld [smem:$0x3FDB];
	s0 =	simm.s32 @p2 $0x1  }
0x17: {  	s4 =	simm.s32 $0x1BF5;
	[smem:$0x3FBB] =	sst s0  }
0x18: {  	s0 =	sld [smem:$0x3F9E];
	_ =	swait.ge [sflag:s4], $0x0  }
0x19: {  	s7 =	sld [smem:$0x3F9F]  }
0x1a: {  	s8 =	sadd.s32 $0xFFFFE003, lr  }
0x1b: {  	s9 =	sadd.s32 $0xFFFFFEF7, lr;
	s5 =	simm.s32 $0xFFFFFFFF;
	p2 =	slt.u32 s8, $0xFFFFF086  }
0x1c: {  	p1 =	slt.u32 s9, $0xF7A;
	s5 =	simm.s32 @!p2 $0x0  }
0x1d: {  	s5 =	simm.s32 @p1 $0x1;
	p0 =	seq.s32 s7, s2  }
0x1e: {  	s7 =	smul.u32 @!p0 $0xF7A, s2;
	p2 =	seq.s32 @!p0 s5, $0x0  }
0x1f: {  	s9 =	smul.u32 $0xF7A, s1;
	s8 =	simm.s32 @!p0 $0x1BF5;
	p2 =	por !p2, p0  }
0x20: {  	[sflag:s8] =	ssyncset.s32 @!p0 $0xFFFFF086;
	s6 =	sadd.s32 @!p0 s3, s7;
	s7 =	simm.s32 @!p0 $0x108  }
0x21: {  	s3 =	sadd.s32 s3, s9;
	s6 =	sadd.s32 @!p0 $0x88, s6;
	s7 =	simm.s32 @p2 $0x1082  }
0x22: {  	[simem:s7], [sflag:s8] =	dma.local @!p0 [hbm:s6], $0xF7A  }
0x23: {  	s9 =	sor.u32 $0xD0000000, s2;
	s6 =	simm.s32 $0x108;
	_ =	swait.ge @!p0 [sflag:s8], $0x0  }
0x24: {  	s3 =	sadd.s32 $0x88, s3;
	s6 =	simm.s32 @!p1 $0x1082;
	[sflag:s4] =	ssyncset.s32 $0xFFFFF086  }
0x25: {  	[simem:s6], [sflag:s4] =	dma.local [hbm:s3], $0xF7A  }
0x26: {  	[smem:$0x3F9F] =	sst s1;
	(tag) =	ssettag s2;
	_ =	strace s9  }
0x27: {  	s1 =	sld [smem:$0x3FAF]  }
0x28: {  	s2 =	sld [smem:$0x3FB0]  }
0x29: {  	s4 =	sld [smem:$0x3FB2]  }
0x2a: {  	p0 =	seq.s32 s5, $0x0;
	s5 =	sld [smem:$0x3FB3]  }
0x2b: {  	s6 =	sld [smem:$0x3FB4]  }
0x2c: {  	s7 =	sld [smem:$0x3FB5]  }
0x2d: {  	s3 =	simm.s32 $0x108;
	s8 =	sld [smem:$0x3FB6]  }
0x2e: {  	s3 =	simm.s32 @!p0 $0x1082;
	s9 =	sld [smem:$0x3FB7]  }
0x2f: {  	lr =	sadd.s32 s0, s3;
	s0 =	sld [smem:$0x3FAE]  }
0x30: {  	s3 =	sld [smem:$0x3FB1]  }
0x31: {  	[smem:$0x3FBA] =	sst s10  }
0x32: {  	s10 =	sld [smem:$0x3FB8];
	_ =	sdelay $0x3  }
0x33: {  	p0 =	seq.s32 s10, $0x1;
	s10 =	sld [smem:$0x3FBA];
	_ =	sdelay $0x3  }
0x34: {  	[smem:$0x3FBA] =	sst s10  }
0x35: {  	s10 =	sld [smem:$0x3FB9];
	_ =	sdelay $0x3  }
0x36: {  	p1 =	seq.s32 s10, $0x1;
	s10 =	sld [smem:$0x3FBA];
	_ =	sdelay $0x3  }
0x37: {  	[smem:$0x3FBA] =	sst s10  }
0x38: {  	s10 =	sld [smem:$0x3FBB]  }
0x39: {  	_ = 	snop;
	(pc) =	sbr.ind lr, $3  }
0x3a: {  	_ = 	snop  }
0x3b: {  	_ = 	snop  }
0x3c: {  	p2 =	seq.s32 s10, $0x1;
	s10 =	sld [smem:$0x3FBA]  }
0x3d: {  	_ =	shalt  }
0x3e: {  	_ =	shalt  }
0x3f: {  	_ =	shalt  }
0x40: {  	_ =	shalt  }
0x41: {  	_ =	shalt  }
0x42: {  	_ =	shalt  }
0x43: {  	_ =	shalt  }
0x44: {  	_ =	shalt  }
0x45: {  	_ =	shalt  }
0x46: {  	_ =	shalt  }
0x47: {  	_ =	shalt  }
0x48: {  	_ =	shalt  }
0x49: {  	_ =	shalt  }
0x4a: {  	_ =	shalt  }
0x4b: {  	_ =	shalt  }
0x4c: {  	_ =	shalt  }
0x4d: {  	_ =	shalt  }
0x4e: {  	_ =	shalt  }
0x4f: {  	_ =	shalt  }
0x50: {  	_ =	shalt  }
0x51: {  	_ =	shalt  }
0x52: {  	_ =	shalt  }
0x53: {  	_ =	shalt  }
0x54: {  	_ =	shalt  }
0x55: {  	_ =	shalt  }
0x56: {  	_ =	shalt  }
0x57: {  	_ =	shalt  }
0x58: {  	_ =	shalt  }
0x59: {  	_ =	shalt  }
0x5a: {  	_ =	shalt  }
0x5b: {  	_ =	shalt  }
0x5c: {  	_ =	shalt  }
0x5d: {  	_ =	shalt  }
0x5e: {  	_ =	shalt  }
0x5f: {  	_ =	shalt  }
0x60: {  	_ =	shalt  }
0x61: {  	_ =	shalt  }
0x62: {  	_ =	shalt  }
0x63: {  	_ =	shalt  }
0x64: {  	_ =	shalt  }
0x65: {  	_ =	shalt  }
0x66: {  	_ =	shalt  }
0x67: {  	_ =	shalt  }
0x68: {  	_ =	shalt  }
0x69: {  	_ =	shalt  }
0x6a: {  	_ =	shalt  }
0x6b: {  	_ =	shalt  }
0x6c: {  	_ =	shalt  }
0x6d: {  	_ =	shalt  }
0x6e: {  	_ =	shalt  }
0x6f: {  	_ =	shalt  }
0x70: {  	_ =	shalt  }
0x71: {  	_ =	shalt  }
0x72: {  	_ =	shalt  }
0x73: {  	_ =	shalt  }
0x74: {  	_ =	shalt  }
0x75: {  	_ =	shalt  }
0x76: {  	_ =	shalt  }
0x77: {  	_ =	shalt  }
0x78: {  	_ =	shalt  }
0x79: {  	_ =	shalt  }
0x7a: {  	_ =	shalt  }
0x7b: {  	_ =	shalt  }
0x7c: {  	_ =	shalt  }
0x7d: {  	_ =	shalt  }
0x7e: {  	_ =	shalt  }
0x7f: {  	_ =	shalt  }
0x80: {  	_ =	shalt  }
0x81: {  	_ =	shalt  }
0x82: {  	_ =	shalt  }
0x83: {  	_ =	shalt  }
0x84: {  	_ =	shalt  }
0x85: {  	_ =	shalt  }
0x86: {  	_ =	shalt  }
0x87: {  	_ =	shalt  }
.Lfunc_end0:
.L_simem_size_0:
called_computation_lowered:
.L_overlay_start_0:
0x88: {  	s2 =	sld [smem:$0x3FD9]  }
0x89: {  	s3 =	sld [smem:$0x3FFE];
	_ =	sdelay $0x1  }
0x8a: {  	s1 =	srdreg.scid  }
0x8b: {  	s0 =	sand.u32 $0x1, s1  }
0x8c: {  	s17 =	sshll.u32 s0, $0xA;
	s2 =	sadd.s32 s3, s2  }
0x8d: {  	s2 =	sadd.s32 s2, s17  }
0x8e: {  	[smem:$0x3FC6] =	sst s2  }
0x8f: {  	_ = 	snop  }
0x90: {  	s2 =	sld [smem:$0x3FC8]  }
0x91: {  	s18 =	sld [smem:$0x3FD0];
	(tm) =	ssettm $0x1  }
0x92: {  	s4 =	sld [smem:$0x3FFB];
	_ =	sdelay $0x3  }
0x93: {  	_ =	strace s4  }
0x94: {  	s4 =	sld [smem:$0x3FFC];
	_ =	sdelay $0x3  }
0x95: {  	_ =	strace s4  }
0x96: {  	s4 =	sld [smem:$0x3FFD];
	_ =	sdelay $0x3  }
0x97: {  	_ =	strace s4  }
0x98: {  	_ =	strace $0x8FFFFFFF  }
0x99: {  	s19 =	sld [smem:$0x3FDB];
	_ =	sdelay $0x1  }
0x9a: {  	s5 =	simm.s32 $_scs_section_size  }
0x9b: {  	s6 =	simm.s32 $_size__tile_overlayer_lowered;
	s7 =	simm.s32 $_tile_overlayer_lowered  }
0x9c: {  	s22 =	simm.s32 $0x1BFF;
	s21 =	sshll.u32 s7, $0x1;
	s4 =	sadd.s32 s5, s19  }
0x9d: {  	s8 =	simm.s32 $0x0;
	s20 =	sshll.u32 s6, $0x1;
	s6 =	sadd.s32 s21, s4  }
0x9e: {  	[timem:s8], [sflag:s22] =	dma.local [hbm:s6], s20  }
0x9f: {  	_ =	swait.ge [sflag:s22], s20  }
0xa0: {  	s5 =	ssub.s32 $0x0, s20;
	[sflag:s22] =	ssyncset.done $0x0  }
0xa1: {  	[sflag:s22] =	ssyncadd.s32 s5;
	_ =	sdelay $0x1  }
0xa2: {  	s23 =	simm.s32 $0x1B8B  }
0xa3: {  	_ =	swait.ge [sflag:s23], $0x1  }
0xa4: {  	[sflag:s23] =	ssyncset.done $0x0  }
0xa5: {  	s25 =	simm.s32 $0x1B8E;
	s24 =	sld [smem:$0x3FFE];
	[sflag:s23] =	ssyncadd.s32 $0xFFFFFFFF  }
0xa6: {  	s26 =	simm.s32 $execute0_lowered;
	[smem:$0x3FD2] =	sst s25  }
0xa7: {  	s6 =	sshll.u32 s26, $0x1;
	_ =	strace $0x80000046;
	[dreg:$0x1] =	wrdreg $0xFFFFFFFF  }
0xa8: {  	s28 =	simm.s32 $_size_execute0_lowered;
	s4 =	sadd.s32 s4, s6;
	[dreg:$0x0] =	wrdreg $0x0  }
0xa9: {  	s6 =	sshll.u32 s28, $0x1;
	[dreg:$0x2] =	wrdreg s4  }
0xaa: {  	[dreg:$0x3] =	wrdreg s6  }
0xab: {  	[dreg:$0x4] =	wrdreg $0xC0  }
0xac: {  	_ =	task [dreg:s8], $0x5FFFF  }
0xad: {  	[dreg:$0x1] =	wrdreg $0xFFFFFFFF  }
0xae: {  	[dreg:$0x0] =	wrdreg $0x60  }
0xaf: {  	[dreg:$0x2] =	wrdreg s24  }
0xb0: {  	[dreg:$0x3] =	wrdreg s2  }
0xb1: {  	[dreg:$0x4] =	wrdreg s18  }
0xb2: {  	[dreg:$0x5] =	wrdreg $0xE4000  }
0xb3: {  	[dreg:$0x6] =	wrdreg $0x9  }
0xb4: {  	_ =	task.clear_ibuf [dreg:s8], $0x7FFFF;
	_ =	strace $0x90000046  }
0xb5: {  	s29 =	simm.s32 $0x9;
	_ =	strace $0x80000048  }
0xb6: {  	_ =	swait.ge [sflag:s29], $0x1  }
0xb7: {  	[sflag:s29] =	ssyncadd.s32 $0xFFFFFFFF  }
0xb8: {  	_ =	strace $0x90000048  }
0xb9: {  	_ =	sfence  }
0xba: {  	s30 =	sld [smem:$0x0];
	_ =	sdelay $0x2  }
0xbb: {  	s31 =	sshll.u32 s1, $0xD;
	s1 =	sshrl.u32 s1, $0x2  }
0xbc: {  	s3 =	sand.u32 $0x4000, s31;
	s1 =	sadd.s32 s1, s30  }
0xbd: {  	s0 =	sor.u32 s3, s0;
	s1 =	sshll.u32 s1, $0x11  }
0xbe: {  	s0 =	sor.u32 s1, s0  }
0xbf: {  	s0 =	sadd.s32 $0x8F2B, s0  }
0xc0: {  	[sflag:s0] =	ssyncadd.remote.s32 $0x1  }
0xc1: {  	_ =	sfence.sel $0xFFFF  }
0xc2: {  	[dreg:$0x0] =	wrdreg $0xFFFFFFFF;
	(pc) =	sbr.abs _section_cstart, $3  }
0xc3: {  	[dreg:$0x1] =	wrdreg $0xFFFFFFFF  }
0xc4: {  	_ =	task.clear_ibuf [dreg:s8], $0x2FFFF;
	_ =	strace $0x9FFFFFFF  }
0xc5: {  	(tm) =	ssettm $0x7FFFFFFF  }
tec
execute0_lowered:
.L_overlay_start_1:
0x0: {  	(tag) =	ssettag $0x1  }
0x1: {  	s4 =	rddreg [dreg:$0x0]  }
0x2: {  	s1 =	rddreg [dreg:$0x1]  }
0x3: {  	s11 =	rddreg [dreg:$0x2];
	s2 =	srdreg.scid  }
0x4: {  	s0 =	stileid.u32;
	s5 =	rddreg [dreg:$0x3]  }
0x5: {  	s3 =	simm.s32 $0x0;
	s16 =	simm.s32 $0x1;
	s17 =	simm.s32 $0x3  }
0x6: {  	s21 =	simm.s32 $0x2;
	s22 =	simm.s32 $0x4;
	s28 =	simm.s32 $0x6  }
0x7: {  	s29 =	simm.s32 $0x0;
	s8 =	sand.u32 $0x1, s2;
	s26 =	smul.u32 $0x640000, s0  }
0x8: {  	s6 =	sshll.u32 s0, $0x1;
	[smem:$0x7FF] =	sst s3;
	s14 =	smul.u32 $0xC8000, s0  }
0x9: {  	s25 =	sshll.u32 s0, $0xF;
	s23 =	sshll.u32 s0, $0x6;
	s13 =	smul.u32 $0x320000, s8  }
0xa: {  	s6 =	sor.u32 s8, s6;
	_ =	strace $0x80000047;
	s15 =	smul.u32 $0x64000, s8  }
0xb: {  	s9 =	ssub.s32 $0x2, s8;
	s5 =	sadd.s32 s25, s5;
	s7 =	smul.u32 $0xC80, s6  }
0xc: {  	s18 =	sor.u32 $0x1C05, s23;
	s23 =	sor.u32 $0x1C06, s23;
	s10 =	smul.u32 $0x320000, s6  }
0xd: {  	s25 =	simm.s32 $0x180;
	s24 =	sshrl.u32 s9, $0x1;
	s12 =	smul.u32 $0x64000, s6  }
0xe: {  	s6 =	sadd.s32 $0x4000, s5;
	s30 =	sadd.s32 s14, s11;
	s14 =	simm.s32 $0x6400  }
0xf: {  	s19 =	sshrl.u32 s5, $0x3;
	s4 =	sadd.s32 s7, s4;
	s7 =	ssub.s32 s9, s24  }
0x10: {  	s10 =	sshrl.u32 s10, $0x3;
	s9 =	sadd.s32 s13, s26;
	s12 =	sadd.s32 s12, s11  }
.Ltmp0:
0x11: {  	s13 =	simm.s32 $0x80;
	s24 =	sshrl.u32 s6, $0x3;
	(pc) =	sbr.rel .LBB2_1-.Ltmp0, $4  }
0x12: {  	s26 =	simm.s32 $0x5;
	s4 =	sadd.s32 $0x400, s4;
	s7 =	smax.u32 s7, $0x1  }
0x13: {  	s8 =	sadd.s32 s11, s10;
	s9 =	sor.u32 $0x8000, s9;
	s10 =	sadd.s32 s15, s30  }
0x14: {  	s15 =	simm.s32 $0xA400;
	s31 =	sshrl.u32 s9, $0x3;
	s9 =	sadd.s32 $0x800, s12  }
0x15: {  	s10 =	sadd.s32 $0x1800, s10;
	s12 =	simm.s32 $0x7;
	s11 =	sadd.s32 s31, s11  }
.LBB2_4:
0x16: {  	s29 =	sadd.s32 $0x1, s29  }
0x17: {  	_ =	swait.ge [sflag:s26], $0x800;
	p0 =	sne.s32 s29, s7  }
.Ltmp1:
0x18: {  	[sflag:s26] =	ssyncset.done $0x0;
	(pc) =	sbr.rel @!p0 .LBB2_5-.Ltmp1, $4  }
0x19: {  	[sflag:s26] =	ssyncadd.s32 $0xFFFFF800  }
0x1a: {  	_ =	swait.ge [sflag:s28], $0x800  }
0x1b: {  	[sflag:s28] =	ssyncset.done $0x0  }
0x1c: {  	[sflag:s28] =	ssyncadd.s32 $0xFFFFF800  }
.LBB2_1:
0x1d: {  	[tilespmem:s3], [sflag:$0x7] =	stream.linear.gather [hbm4b:s4+s3], $0x6400, $0x38;
	[tilespmem:$0x16400] =	vst v63  }
0x1e: {  	_ =	swait.ge [sflag:s12], $0x6400  }
0x1f: {  	[sflag:s12] =	ssyncset.done $0x0  }
0x20: {  	[sflag:s12] =	ssyncadd.s32 $0xFFFF9C00  }
0x21: {  	[tilespmem:s14], [sflag:$0x1] =	stream.indirect.gather [hbm4b:s1+s13], $0x80, s3, s13, $0xb8;
	[tilespmem:$0x16400] =	vst v63  }
0x22: {  	_ = 	snop  }
0x23: {  	[tilespmem:s15], [sflag:$0x2] =	stream.indirect.gather [hbm4b:s1+s13], $0x80, s13, s13, $0xb8;
	[tilespmem:$0x16400] =	vst v63  }
0x24: {  	_ =	swait.ge [sflag:s16], $0x4000  }
0x25: {  	[sflag:s16] =	ssyncset.done $0x0  }
0x26: {  	[sflag:s16] =	ssyncadd.s32 $0xFFFFC000  }
0x27: {  	[spmem:s5] =	stream.linear.scatter [tilespmem:s14], [sflag:$0x3], $0x4000, $0x38;
	[tilespmem:$0x16400] =	vst v63  }
0x28: {  	_ =	swait.ge [sflag:s17], $0x4000  }
0x29: {  	[sflag:s17] =	ssyncset.done $0x0  }
0x2a: {  	s0 =	simm.s32 $0x100;
	[sflag:s17] =	ssyncadd.s32 $0xFFFFC000  }
0x2b: {  	[hbm:s8], [sflag:s18] =	dma.local [spmem:s19], $0x800  }
0x2c: {  	[tilespmem:s14], [sflag:$0x1] =	stream.indirect.gather [hbm4b:s1+s13], $0x80, s0, s13, $0xb8;
	[tilespmem:$0x16400] =	vst v63  }
0x2d: {  	_ =	swait.ge [sflag:s21], $0x4000  }
0x2e: {  	[sflag:s21] =	ssyncset.done $0x0  }
0x2f: {  	[sflag:s21] =	ssyncadd.s32 $0xFFFFC000  }
0x30: {  	[spmem:s6] =	stream.linear.scatter [tilespmem:s15], [sflag:$0x4], $0x4000, $0x38;
	[tilespmem:$0x16400] =	vst v63  }
0x31: {  	_ =	swait.ge [sflag:s22], $0x4000  }
0x32: {  	[sflag:s22] =	ssyncset.done $0x0  }
0x33: {  	s30 =	simm.s32 $0x280;
	s31 =	simm.s32 $0x0;
	[sflag:s22] =	ssyncadd.s32 $0xFFFFC000  }
0x34: {  	[hbm:s9], [sflag:s23] =	dma.local [spmem:s24], $0x800  }
0x35: {  	[tilespmem:s15], [sflag:$0x2] =	stream.indirect.gather [hbm4b:s1+s13], $0x80, s25, s13, $0xb8;
	[tilespmem:$0x16400] =	vst v63  }
.LBB2_2:
0x36: {  	_ =	swait.ge [sflag:s16], $0x4000  }
0x37: {  	[sflag:s16] =	ssyncset.done $0x0  }
0x38: {  	[sflag:s16] =	ssyncadd.s32 $0xFFFFC000  }
0x39: {  	_ =	swait.ge [sflag:s26], $0x800  }
0x3a: {  	[sflag:s26] =	ssyncset.done $0x0  }
0x3b: {  	[sflag:s26] =	ssyncadd.s32 $0xFFFFF800  }
0x3c: {  	[spmem:s5] =	stream.linear.scatter [tilespmem:s14], [sflag:$0x3], $0x4000, $0x38;
	[tilespmem:$0x16400] =	vst v63  }
0x3d: {  	_ =	swait.ge [sflag:s17], $0x4000  }
0x3e: {  	[sflag:s17] =	ssyncset.done $0x0  }
0x3f: {  	s2 =	sadd.s32 s31, s11;
	p0 =	seq.s32 s31, $0x62000;
	[sflag:s17] =	ssyncadd.s32 $0xFFFFC000  }
0x40: {  	[hbm:s2], [sflag:s18] =	dma.local [spmem:s19], $0x800  }
0x41: {  	s0 =	simm.s32 @!p0 $0x80;
	s20 =	simm.s32 @!p0 $0x6400;
	s2 =	sadd.s32 @!p0 $0xFFFFFF80, s30  }
0x42: {  	[tilespmem:s20], [sflag:$0x1] =	stream.indirect.gather @!p0 [hbm4b:s1+s0], $0x80, s2, s0, $0xb8;
	[tilespmem:$0x16400] =	vst v63  }
0x43: {  	_ =	swait.ge [sflag:s21], $0x4000  }
0x44: {  	[sflag:s21] =	ssyncset.done $0x0  }
0x45: {  	[sflag:s21] =	ssyncadd.s32 $0xFFFFC000  }
0x46: {  	_ =	swait.ge [sflag:s28], $0x800  }
0x47: {  	[sflag:s28] =	ssyncset.done $0x0  }
0x48: {  	[sflag:s28] =	ssyncadd.s32 $0xFFFFF800  }
0x49: {  	[spmem:s6] =	stream.linear.scatter [tilespmem:s15], [sflag:$0x4], $0x4000, $0x38;
	[tilespmem:$0x16400] =	vst v63  }
.Ltmp2:
0x4a: {  	_ = 	snop;
	(pc) =	sbr.rel @p0 .LBB2_4-.Ltmp2, $4  }
0x4b: {  	_ =	swait.ge [sflag:s22], $0x4000  }
0x4c: {  	[sflag:s22] =	ssyncset.done $0x0  }
0x4d: {  	s20 =	sadd.s32 s31, s10;
	[sflag:s22] =	ssyncadd.s32 $0xFFFFC000  }
0x4e: {  	[hbm:s20], [sflag:s23] =	dma.local [spmem:s24], $0x800  }
.Ltmp3:
0x4f: {  	(pc) =	sbr.rel .LBB2_2-.Ltmp3, $3  }
0x50: {  	_ =	sdelay $0x1  }
0x51: {  	[tilespmem:s15], [sflag:$0x2] =	stream.indirect.gather [hbm4b:s1+s13], $0x80, s30, s13, $0xb8;
	[tilespmem:$0x16400] =	vst v63  }
0x52: {  	s30 =	sadd.s32 $0x100, s30;
	s31 =	sadd.s32 $0x1000, s31  }
.LBB2_5:
0x53: {  	_ =	sfence.sel $0x180000  }
0x54: {  	[bflag:$0x0] =	sbarrier.arrive $0xFFFF  }
0x55: {  	_ =	strace $0x90000047  }
0x56: {  	s0 =	stileid.u32;
	[bflag:$0x2] =	sbarrier.arrive $0xFFFF  }
0x57: {  	p0 =	sne.s32 s0, $0x0;
	s0 =	rddreg [dreg:$0x4]  }
0x58: {  	s0 =	sadd.s32 @!p0 $0x100000, s0  }
0x59: {  	[sflag:s0] =	ssyncadd.tile.s32 @!p0 $0x1;
	_ =	shalt  }
.Lfunc_end2:
_tile_overlayer_lowered:
.L_overlay_start_2:
0x5a: {  	(tag) =	ssettag $0x2  }
0x5b: {  	s0 =	rddreg [dreg:$0x0];
	s2 =	stileid.u32  }
0x5c: {  	s1 =	rddreg [dreg:$0x1];
	p0 =	sne.s32 s2, $0x0  }
0x5d: {  	s3 =	rddreg [dreg:$0x2];
	[bflag:$0x3] =	sbarrier.arrive $0xFFFF;
	s2 =	simm.s32 @!p0 $0x1C07  }
0x5e: {  	[timem:s3], [sflag:s2] =	dma.local @!p0 [hbm:s0], s1  }
0x5f: {  	s0 =	simm.s32 @!p0 $0x7  }
0x60: {  	_ =	swait.ge @!p0 [sflag:s0], s1  }
0x61: {  	s1 =	ssub.s32 @!p0 $0x0, s1;
	[sflag:s0] =	ssyncset.done @!p0 $0x0  }
0x62: {  	[sflag:s0] =	ssyncadd.s32 @!p0 s1  }
0x63: {  	[bflag:$0x3] =	sbarrier.arrive $0xFFFF  }
0x64: {  	_ =	shalt  }

</sc_bundles>
